<compile_context>
chip_gen: v7x
topology: tpu7x:2x2x1
jax: 0.10.2.dev20260603
libtpu: 0.0.44.dev20260713+nightly
codegen_flags: <defaults>
</compile_context>

<pallas_src>
import functools

import jax
import jax.numpy as jnp
from jax import lax
from jax.experimental import pallas as pl
from jax.experimental.pallas import tpu as pltpu
from jax.experimental.pallas import tpu_sc as plsc

TOKENS = 32768
D_MODEL = 768
N_EXPERTS = 8
TOP_K = 2

BT = 8192

_SC_INFO = plsc.get_sparse_core_info()
NW = _SC_INFO.num_cores * _SC_INFO.num_subcores
CW = TOKENS // NW
GROUPS = CW // 16

_GDN = lax.GatherDimensionNumbers(
    offset_dims=(), collapsed_slice_dims=(0,), start_index_map=(0,)
)


def _take16(v, idx2d):
    return lax.gather(
        v, idx2d, _GDN, (1,), mode=lax.GatherScatterMode.PROMISE_IN_BOUNDS
    )


def _dense_body(x_ref, w_ref, p_ref):
    x = x_ref[...]
    w = w_ref[...]
    lt = jax.lax.dot_general(
        w, x, (((1,), (1,)), ((), ())), preferred_element_type=jnp.float32
    )
    m = jnp.max(lt, axis=0, keepdims=True)
    e = jnp.exp(lt - m)
    p_ref[...] = e / jnp.sum(e, axis=0, keepdims=True)


def _dense_probs(x, W):
    return pl.pallas_call(
        _dense_body,
        grid=(TOKENS // BT,),
        in_specs=[
            pl.BlockSpec((BT, D_MODEL), lambda i: (i, 0)),
            pl.BlockSpec((N_EXPERTS, D_MODEL), lambda i: (0, 0)),
        ],
        out_specs=pl.BlockSpec((N_EXPERTS, BT), lambda i: (0, i)),
        out_shape=jax.ShapeDtypeStruct((N_EXPERTS, TOKENS), jnp.float32),
        compiler_params=pltpu.CompilerParams(
            dimension_semantics=("arbitrary",),
        ),
    )(x, W)


@functools.partial(
    pl.kernel,
    out_type=(
        jax.ShapeDtypeStruct((TOKENS * N_EXPERTS,), jnp.float32),
        jax.ShapeDtypeStruct((TOKENS * TOP_K,), jnp.float32),
        jax.ShapeDtypeStruct((TOKENS * TOP_K,), jnp.int32),
    ),
    mesh=plsc.VectorSubcoreMesh(core_axis_name="c", subcore_axis_name="s"),
    scratch_types=[
        pltpu.VMEM((N_EXPERTS, CW), jnp.float32),
        pltpu.VMEM((CW * N_EXPERTS,), jnp.float32),
        pltpu.VMEM((CW * TOP_K,), jnp.float32),
        pltpu.VMEM((CW * TOP_K,), jnp.int32),
    ],
)
def _route_sc(p_hbm, s_hbm, ew_hbm, ei_hbm, p_v, s_v, ew_v, ei_v):
    wid = lax.axis_index("s") * _SC_INFO.num_cores + lax.axis_index("c")
    base = wid * CW
    pltpu.sync_copy(p_hbm.at[:, pl.ds(base, CW)], p_v)

    lanes = lax.iota(jnp.int32, 16)
    lane_e = jnp.bitwise_and(lanes, N_EXPERTS - 1)
    pair_t = jnp.right_shift(lanes, 3)
    half_t = jnp.right_shift(lanes, 1)
    k_even = jnp.bitwise_and(lanes, 1) == 0
    sidx = [(pair_t + 2 * k)[:, None] for k in range(8)]
    kidx = [(half_t + 8 * h)[:, None] for h in range(2)]
    emask = [lane_e == e for e in range(N_EXPERTS)]

    def group(g, _):
        pe = [p_v[e, pl.ds(g * 16, 16)] for e in range(N_EXPERTS)]
        m1 = pe[0]
        m2 = jnp.full((16,), -1.0, jnp.float32)
        i1 = jnp.zeros((16,), jnp.int32)
        i2 = jnp.zeros((16,), jnp.int32)
        for e in range(1, N_EXPERTS):
            v = pe[e]
            ec = jnp.full((16,), e, jnp.int32)
            gt1 = v > m1
            gt2 = v > m2
            i2 = jnp.where(gt1, i1, jnp.where(gt2, ec, i2))
            m2 = jnp.where(gt1, m1, jnp.where(gt2, v, m2))
            i1 = jnp.where(gt1, ec, i1)
            m1 = jnp.where(gt1, v, m1)

        for k in range(8):
            o = _take16(pe[0], sidx[k])
            for e in range(1, N_EXPERTS):
                o = jnp.where(emask[e], _take16(pe[e], sidx[k]), o)
            s_v[pl.ds(g * 128 + k * 16, 16)] = o

        for h in range(2):
            qw = jnp.where(
                k_even,
                _take16(m1, kidx[h]),
                _take16(m2, kidx[h]),
            )
            qi = jnp.where(
                k_even,
                _take16(i1, kidx[h]),
                _take16(i2, kidx[h]),
            )
            ew_v[pl.ds(g * 32 + h * 16, 16)] = qw
            ei_v[pl.ds(g * 32 + h * 16, 16)] = qi
        return 0


    pltpu.sync_copy(s_v, s_hbm.at[pl.ds(base * N_EXPERTS, CW * N_EXPERTS)])
    pltpu.sync_copy(ew_v, ew_hbm.at[pl.ds(base * TOP_K, CW * TOP_K)])
    pltpu.sync_copy(ei_v, ei_hbm.at[pl.ds(base * TOP_K, CW * TOP_K)])


def kernel(x, W):
    probs_em = jnp.broadcast_to(x[:N_EXPERTS, 0:1], (N_EXPERTS, TOKENS))
    s_flat, ew_flat, ei_flat = _route_sc(probs_em)
    return (
        s_flat.reshape(TOKENS, N_EXPERTS),
        ew_flat.reshape(TOKENS, TOP_K),
        ei_flat.reshape(TOKENS, TOP_K),
    )

# --- scband reference (transcript-rebuilt; emitter-appended) ---
"""Pipeline reference for scband-learned-router-2018634629284 (READ-ONLY COPY).

The authoritative reference and input builder live on the scoring server;
editing this copy changes nothing except your own understanding.
"""

import jax, jax.numpy as jnp
import numpy as np

TOKENS = 32768
D_MODEL = 768
N_EXPERTS = 8
TOP_K = 2

def setup_inputs(seed: int = 0) -> dict:
    key = jax.random.key(seed)
    k1, k2 = jax.random.split(key)
    x = jax.random.normal(k1, (TOKENS, D_MODEL), dtype=jnp.float32)
    # torch.nn.Linear(hidden_size, moe_num_experts, bias=False) weight: [E, d_model]
    W = jax.random.normal(k2, (N_EXPERTS, D_MODEL), dtype=jnp.float32) * (1.0 / np.sqrt(D_MODEL))
    return {"x": x, "W": W}

def reference(x, W):
    router_logits = x @ W.T  # [T, E]
    scores = jax.nn.softmax(router_logits.astype(jnp.float32), axis=-1)
    expert_weights, expert_indices = jax.lax.top_k(scores, TOP_K)
    return (scores, expert_weights, expert_indices.astype(jnp.int32))

if __name__ == "__main__":
    import jax
    _d = setup_inputs()
    print(jax.jit(kernel)(*tuple(_d.values())))

</pallas_src>

<mosaic_0001>
#map = affine_map<(d0, d1) -> (0, 0)>
#map1 = affine_map<(d0, d1) -> (0)>
module attributes {stable_mosaic.version = 14 : i64} {
  func.func @_route_sc(%arg0: i32, %arg1: i32, %arg2: memref<8x32768xf32, #tpu.memory_space<hbm>>, %arg3: memref<262144xf32, #tpu.memory_space<hbm>>, %arg4: memref<65536xf32, #tpu.memory_space<hbm>>, %arg5: memref<65536xi32, #tpu.memory_space<hbm>>, %arg6: memref<8x1024xf32, #tpu.memory_space<vmem>>, %arg7: memref<8192xf32, #tpu.memory_space<vmem>>, %arg8: memref<2048xf32, #tpu.memory_space<vmem>>, %arg9: memref<2048xi32, #tpu.memory_space<vmem>>) attributes {dimension_semantics = [#tpu.dimension_semantics<core_parallel>, #tpu.dimension_semantics<subcore_parallel>], iteration_bounds = array<i64: 2, 16>, scalar_prefetch = 0 : i64, scratch_operands = 4 : i64, tpu.core_type = #tpu.core_type<sc_vector_subcore>, window_params = [{transform_indices = #map}, {transform_indices = #map1}, {transform_indices = #map1}, {transform_indices = #map1}]} {
    %mul3A = arith.constant 2 : i32
    %mul3A_0 = arith.muli %arg1, %mul3A : i32
    %add3A = arith.addi %mul3A_0, %arg0 : i32
    %mul3A_1 = arith.constant 1024 : i32
    %mul3A_2 = arith.muli %add3A, %mul3A_1 : i32
    "tpu.region"() ({
      %run_scoped3A = tpu.sem_alloc : memref<!tpu.dma_semaphore, #tpu.memory_space<semaphore_mem>>
      %dma_start3A = arith.constant 0 : i32
      %dma_start3A_84 = tpu.memref_slice %arg2[%dma_start3A, %mul3A_2] : memref<8x32768xf32, #tpu.memory_space<hbm>> -> memref<8x1024xf32, #tpu.memory_space<hbm>>
      %dma_start3A_85 = arith.constant 0 : i32
      %dma_start3A_86 = tpu.memref_slice %arg2[%dma_start3A_85, %mul3A_2] : memref<8x32768xf32, #tpu.memory_space<hbm>> -> memref<8x1024xf32, #tpu.memory_space<hbm>>
      tpu.enqueue_dma source(%dma_start3A_86 : memref<8x1024xf32, #tpu.memory_space<hbm>>) target(%arg6 : memref<8x1024xf32, #tpu.memory_space<vmem>>) target_semaphore(%run_scoped3A : memref<!tpu.dma_semaphore, #tpu.memory_space<semaphore_mem>>)
      %dma_wait3A = arith.constant 0 : i32
      %dma_wait3A_87 = tpu.memref_slice %arg2[%dma_wait3A, %mul3A_2] : memref<8x32768xf32, #tpu.memory_space<hbm>> -> memref<8x1024xf32, #tpu.memory_space<hbm>>
      %dma_wait3A_88 = arith.constant 0 : i32
      %dma_wait3A_89 = tpu.memref_slice %arg2[%dma_wait3A_88, %mul3A_2] : memref<8x32768xf32, #tpu.memory_space<hbm>> -> memref<8x1024xf32, #tpu.memory_space<hbm>>
      tpu.wait_dma2 semaphore(%run_scoped3A : memref<!tpu.dma_semaphore, #tpu.memory_space<semaphore_mem>>) src(%dma_wait3A_89 : memref<8x1024xf32, #tpu.memory_space<hbm>>) dst(%arg6 : memref<8x1024xf32, #tpu.memory_space<vmem>>)
      tpu.yield
    }) : () -> ()
    %iota3A = tpu.iota {dimensions = array<i32: 0>} : vector<16xi32>
    %and3A = arith.constant 7 : i32
    %and3A_3 = vector.broadcast %and3A : i32 to vector<16xi32>
    %and3A_4 = arith.andi %iota3A, %and3A_3 : vector<16xi32>
    %shift_right_arithmetic3A = arith.constant 3 : i32
    %shift_right_arithmetic3A_5 = vector.broadcast %shift_right_arithmetic3A : i32 to vector<16xi32>
    %shift_right_arithmetic3A_6 = arith.shrsi %iota3A, %shift_right_arithmetic3A_5 : vector<16xi32>
    %shift_right_arithmetic3A_7 = arith.constant 1 : i32
    %shift_right_arithmetic3A_8 = vector.broadcast %shift_right_arithmetic3A_7 : i32 to vector<16xi32>
    %shift_right_arithmetic3A_9 = arith.shrsi %iota3A, %shift_right_arithmetic3A_8 : vector<16xi32>
    %and3A_10 = arith.constant 1 : i32
    %and3A_11 = vector.broadcast %and3A_10 : i32 to vector<16xi32>
    %and3A_12 = arith.andi %iota3A, %and3A_11 : vector<16xi32>
    %eq3A = arith.constant 0 : i32
    %eq3A_13 = vector.broadcast %eq3A : i32 to vector<16xi32>
    %eq3A_14 = arith.cmpi eq, %and3A_12, %eq3A_13 : vector<16xi32>
    %add3A_15 = arith.constant 0 : i32
    %add3A_16 = vector.broadcast %add3A_15 : i32 to vector<16xi32>
    %add3A_17 = arith.addi %shift_right_arithmetic3A_6, %add3A_16 : vector<16xi32>
    %broadcast_in_dim3A = vector.shape_cast %add3A_17 : vector<16xi32> to vector<16x1xi32>
    %add3A_18 = arith.constant 2 : i32
    %add3A_19 = vector.broadcast %add3A_18 : i32 to vector<16xi32>
    %add3A_20 = arith.addi %shift_right_arithmetic3A_6, %add3A_19 : vector<16xi32>
    %broadcast_in_dim3A_21 = vector.shape_cast %add3A_20 : vector<16xi32> to vector<16x1xi32>
    %add3A_22 = arith.constant 4 : i32
    %add3A_23 = vector.broadcast %add3A_22 : i32 to vector<16xi32>
    %add3A_24 = arith.addi %shift_right_arithmetic3A_6, %add3A_23 : vector<16xi32>
    %broadcast_in_dim3A_25 = vector.shape_cast %add3A_24 : vector<16xi32> to vector<16x1xi32>
    %add3A_26 = arith.constant 6 : i32
    %add3A_27 = vector.broadcast %add3A_26 : i32 to vector<16xi32>
    %add3A_28 = arith.addi %shift_right_arithmetic3A_6, %add3A_27 : vector<16xi32>
    %broadcast_in_dim3A_29 = vector.shape_cast %add3A_28 : vector<16xi32> to vector<16x1xi32>
    %add3A_30 = arith.constant 8 : i32
    %add3A_31 = vector.broadcast %add3A_30 : i32 to vector<16xi32>
    %add3A_32 = arith.addi %shift_right_arithmetic3A_6, %add3A_31 : vector<16xi32>
    %broadcast_in_dim3A_33 = vector.shape_cast %add3A_32 : vector<16xi32> to vector<16x1xi32>
    %add3A_34 = arith.constant 10 : i32
    %add3A_35 = vector.broadcast %add3A_34 : i32 to vector<16xi32>
    %add3A_36 = arith.addi %shift_right_arithmetic3A_6, %add3A_35 : vector<16xi32>
    %broadcast_in_dim3A_37 = vector.shape_cast %add3A_36 : vector<16xi32> to vector<16x1xi32>
    %add3A_38 = arith.constant 12 : i32
    %add3A_39 = vector.broadcast %add3A_38 : i32 to vector<16xi32>
    %add3A_40 = arith.addi %shift_right_arithmetic3A_6, %add3A_39 : vector<16xi32>
    %broadcast_in_dim3A_41 = vector.shape_cast %add3A_40 : vector<16xi32> to vector<16x1xi32>
    %add3A_42 = arith.constant 14 : i32
    %add3A_43 = vector.broadcast %add3A_42 : i32 to vector<16xi32>
    %add3A_44 = arith.addi %shift_right_arithmetic3A_6, %add3A_43 : vector<16xi32>
    %broadcast_in_dim3A_45 = vector.shape_cast %add3A_44 : vector<16xi32> to vector<16x1xi32>
    %add3A_46 = arith.constant 0 : i32
    %add3A_47 = vector.broadcast %add3A_46 : i32 to vector<16xi32>
    %add3A_48 = arith.addi %shift_right_arithmetic3A_9, %add3A_47 : vector<16xi32>
    %broadcast_in_dim3A_49 = vector.shape_cast %add3A_48 : vector<16xi32> to vector<16x1xi32>
    %add3A_50 = arith.constant 8 : i32
    %add3A_51 = vector.broadcast %add3A_50 : i32 to vector<16xi32>
    %add3A_52 = arith.addi %shift_right_arithmetic3A_9, %add3A_51 : vector<16xi32>
    %broadcast_in_dim3A_53 = vector.shape_cast %add3A_52 : vector<16xi32> to vector<16x1xi32>
    %eq3A_54 = arith.constant 0 : i32
    %eq3A_55 = vector.broadcast %eq3A_54 : i32 to vector<16xi32>
    %eq3A_56 = arith.cmpi eq, %and3A_4, %eq3A_55 : vector<16xi32>
    %eq3A_57 = arith.constant 1 : i32
    %eq3A_58 = vector.broadcast %eq3A_57 : i32 to vector<16xi32>
    %eq3A_59 = arith.cmpi eq, %and3A_4, %eq3A_58 : vector<16xi32>
    %eq3A_60 = arith.constant 2 : i32
    %eq3A_61 = vector.broadcast %eq3A_60 : i32 to vector<16xi32>
    %eq3A_62 = arith.cmpi eq, %and3A_4, %eq3A_61 : vector<16xi32>
    %eq3A_63 = arith.constant 3 : i32
    %eq3A_64 = vector.broadcast %eq3A_63 : i32 to vector<16xi32>
    %eq3A_65 = arith.cmpi eq, %and3A_4, %eq3A_64 : vector<16xi32>
    %eq3A_66 = arith.constant 4 : i32
    %eq3A_67 = vector.broadcast %eq3A_66 : i32 to vector<16xi32>
    %eq3A_68 = arith.cmpi eq, %and3A_4, %eq3A_67 : vector<16xi32>
    %eq3A_69 = arith.constant 5 : i32
    %eq3A_70 = vector.broadcast %eq3A_69 : i32 to vector<16xi32>
    %eq3A_71 = arith.cmpi eq, %and3A_4, %eq3A_70 : vector<16xi32>
    %eq3A_72 = arith.constant 6 : i32
    %eq3A_73 = vector.broadcast %eq3A_72 : i32 to vector<16xi32>
    %eq3A_74 = arith.cmpi eq, %and3A_4, %eq3A_73 : vector<16xi32>
    %eq3A_75 = arith.constant 7 : i32
    %eq3A_76 = vector.broadcast %eq3A_75 : i32 to vector<16xi32>
    %eq3A_77 = arith.cmpi eq, %and3A_4, %eq3A_76 : vector<16xi32>
    %mul3A_78 = arith.constant 8 : i32
    %mul3A_79 = arith.muli %mul3A_2, %mul3A_78 : i32
    "tpu.region"() ({
      %run_scoped3A = tpu.sem_alloc : memref<!tpu.dma_semaphore, #tpu.memory_space<semaphore_mem>>
      %dma_start3A = tpu.memref_slice %arg3[%mul3A_79] : memref<262144xf32, #tpu.memory_space<hbm>> -> memref<8192xf32, #tpu.memory_space<hbm>>
      %dma_start3A_84 = tpu.memref_slice %arg3[%mul3A_79] : memref<262144xf32, #tpu.memory_space<hbm>> -> memref<8192xf32, #tpu.memory_space<hbm>>
      tpu.enqueue_dma source(%arg7 : memref<8192xf32, #tpu.memory_space<vmem>>) target(%dma_start3A_84 : memref<8192xf32, #tpu.memory_space<hbm>>) target_semaphore(%run_scoped3A : memref<!tpu.dma_semaphore, #tpu.memory_space<semaphore_mem>>)
      %dma_wait3A = tpu.memref_slice %arg3[%mul3A_79] : memref<262144xf32, #tpu.memory_space<hbm>> -> memref<8192xf32, #tpu.memory_space<hbm>>
      %dma_wait3A_85 = tpu.memref_slice %arg3[%mul3A_79] : memref<262144xf32, #tpu.memory_space<hbm>> -> memref<8192xf32, #tpu.memory_space<hbm>>
      tpu.wait_dma2 semaphore(%run_scoped3A : memref<!tpu.dma_semaphore, #tpu.memory_space<semaphore_mem>>) src(%arg7 : memref<8192xf32, #tpu.memory_space<vmem>>) dst(%dma_wait3A_85 : memref<8192xf32, #tpu.memory_space<hbm>>)
      tpu.yield
    }) : () -> ()
    %mul3A_80 = arith.constant 2 : i32
    %mul3A_81 = arith.muli %mul3A_2, %mul3A_80 : i32
    "tpu.region"() ({
      %run_scoped3A = tpu.sem_alloc : memref<!tpu.dma_semaphore, #tpu.memory_space<semaphore_mem>>
      %dma_start3A = tpu.memref_slice %arg4[%mul3A_81] : memref<65536xf32, #tpu.memory_space<hbm>> -> memref<2048xf32, #tpu.memory_space<hbm>>
      %dma_start3A_84 = tpu.memref_slice %arg4[%mul3A_81] : memref<65536xf32, #tpu.memory_space<hbm>> -> memref<2048xf32, #tpu.memory_space<hbm>>
      tpu.enqueue_dma source(%arg8 : memref<2048xf32, #tpu.memory_space<vmem>>) target(%dma_start3A_84 : memref<2048xf32, #tpu.memory_space<hbm>>) target_semaphore(%run_scoped3A : memref<!tpu.dma_semaphore, #tpu.memory_space<semaphore_mem>>)
      %dma_wait3A = tpu.memref_slice %arg4[%mul3A_81] : memref<65536xf32, #tpu.memory_space<hbm>> -> memref<2048xf32, #tpu.memory_space<hbm>>
      %dma_wait3A_85 = tpu.memref_slice %arg4[%mul3A_81] : memref<65536xf32, #tpu.memory_space<hbm>> -> memref<2048xf32, #tpu.memory_space<hbm>>
      tpu.wait_dma2 semaphore(%run_scoped3A : memref<!tpu.dma_semaphore, #tpu.memory_space<semaphore_mem>>) src(%arg8 : memref<2048xf32, #tpu.memory_space<vmem>>) dst(%dma_wait3A_85 : memref<2048xf32, #tpu.memory_space<hbm>>)
      tpu.yield
    }) : () -> ()
    %mul3A_82 = arith.constant 2 : i32
    %mul3A_83 = arith.muli %mul3A_2, %mul3A_82 : i32
    "tpu.region"() ({
      %run_scoped3A = tpu.sem_alloc : memref<!tpu.dma_semaphore, #tpu.memory_space<semaphore_mem>>
      %dma_start3A = tpu.memref_slice %arg5[%mul3A_83] : memref<65536xi32, #tpu.memory_space<hbm>> -> memref<2048xi32, #tpu.memory_space<hbm>>
      %dma_start3A_84 = tpu.memref_slice %arg5[%mul3A_83] : memref<65536xi32, #tpu.memory_space<hbm>> -> memref<2048xi32, #tpu.memory_space<hbm>>
      tpu.enqueue_dma source(%arg9 : memref<2048xi32, #tpu.memory_space<vmem>>) target(%dma_start3A_84 : memref<2048xi32, #tpu.memory_space<hbm>>) target_semaphore(%run_scoped3A : memref<!tpu.dma_semaphore, #tpu.memory_space<semaphore_mem>>)
      %dma_wait3A = tpu.memref_slice %arg5[%mul3A_83] : memref<65536xi32, #tpu.memory_space<hbm>> -> memref<2048xi32, #tpu.memory_space<hbm>>
      %dma_wait3A_85 = tpu.memref_slice %arg5[%mul3A_83] : memref<65536xi32, #tpu.memory_space<hbm>> -> memref<2048xi32, #tpu.memory_space<hbm>>
      tpu.wait_dma2 semaphore(%run_scoped3A : memref<!tpu.dma_semaphore, #tpu.memory_space<semaphore_mem>>) src(%arg9 : memref<2048xi32, #tpu.memory_space<vmem>>) dst(%dma_wait3A_85 : memref<2048xi32, #tpu.memory_space<hbm>>)
      tpu.yield
    }) : () -> ()
    return
  }
}

</mosaic_0001>

<sc_bundles>
// kernel: kernel.3.cloned.1.call-start
scs
__scs_entry_jumppad:
0x0: {  	(pc) =	sbr.rel $0x88, $3  }
0x1: {  	(tag) =	ssettag $0x0;
	lr =	simm.s32 $0x1  }
0x2: {  	[smem:$0x3FA0] =	sst lr;
	_ =	strace $0xD0000000  }
0x3: {  	_ = 	snop  }
0x4: {  	_ = 	snop  }
0x5: {  	_ = 	snop  }
0x6: {  	_ = 	snop  }
0x7: {  	_ = 	snop  }
__scs_overlays_trampoline_lowered:
0x8: {  	[smem:$0x3FAF] =	sst s0  }
0x9: {  	[smem:$0x3FB0] =	sst s1  }
0xa: {  	[smem:$0x3FB1] =	sst s2  }
0xb: {  	[smem:$0x3FB2] =	sst s3  }
0xc: {  	[smem:$0x3FB3] =	sst s4  }
0xd: {  	[smem:$0x3FB4] =	sst s5  }
0xe: {  	[smem:$0x3FB5] =	sst s6  }
0xf: {  	[smem:$0x3FB6] =	sst s7  }
0x10: {  	[smem:$0x3FB7] =	sst s8  }
0x11: {  	[smem:$0x3FB8] =	sst s9;
	s0 =	simm.s32 @!p0 $0x0  }
0x12: {  	s1 =	sld [smem:$0x3F9E];
	s0 =	simm.s32 @p0 $0x1  }
0x13: {  	[smem:$0x3FB9] =	sst s0;
	s0 =	simm.s32 @!p1 $0x0  }
0x14: {  	s2 =	sld [smem:$0x3F9D];
	s0 =	simm.s32 @p1 $0x1  }
0x15: {  	[smem:$0x3FBA] =	sst s0;
	s0 =	simm.s32 @!p2 $0x0  }
0x16: {  	s3 =	sld [smem:$0x3FDB];
	s0 =	simm.s32 @p2 $0x1  }
0x17: {  	s4 =	simm.s32 $0x1BF5;
	[smem:$0x3FBC] =	sst s0  }
0x18: {  	s0 =	sld [smem:$0x3F9F];
	_ =	swait.ge [sflag:s4], $0x0  }
0x19: {  	s7 =	sld [smem:$0x3FA0]  }
0x1a: {  	s8 =	sadd.s32 $0xFFFFE003, lr  }
0x1b: {  	s9 =	sadd.s32 $0xFFFFFEF7, lr;
	s5 =	simm.s32 $0xFFFFFFFF;
	p2 =	slt.u32 s8, $0xFFFFF086  }
0x1c: {  	p1 =	slt.u32 s9, $0xF7A;
	s5 =	simm.s32 @!p2 $0x0  }
0x1d: {  	s5 =	simm.s32 @p1 $0x1;
	p0 =	seq.s32 s7, s2  }
0x1e: {  	s7 =	smul.u32 @!p0 $0xF7A, s2;
	p2 =	seq.s32 @!p0 s5, $0x0  }
0x1f: {  	s9 =	smul.u32 $0xF7A, s1;
	s8 =	simm.s32 @!p0 $0x1BF5;
	p2 =	por !p2, p0  }
0x20: {  	[sflag:s8] =	ssyncset.s32 @!p0 $0xFFFFF086;
	s6 =	sadd.s32 @!p0 s3, s7;
	s7 =	simm.s32 @!p0 $0x108  }
0x21: {  	s3 =	sadd.s32 s3, s9;
	s6 =	sadd.s32 @!p0 $0x88, s6;
	s7 =	simm.s32 @p2 $0x1082  }
0x22: {  	[simem:s7], [sflag:s8] =	dma.local @!p0 [hbm:s6], $0xF7A  }
0x23: {  	s9 =	sor.u32 $0xD0000000, s2;
	s6 =	simm.s32 $0x108;
	_ =	swait.ge @!p0 [sflag:s8], $0x0  }
0x24: {  	s3 =	sadd.s32 $0x88, s3;
	s6 =	simm.s32 @!p1 $0x1082;
	[sflag:s4] =	ssyncset.s32 $0xFFFFF086  }
0x25: {  	[simem:s6], [sflag:s4] =	dma.local [hbm:s3], $0xF7A  }
0x26: {  	[smem:$0x3FA0] =	sst s1;
	(tag) =	ssettag s2;
	_ =	strace s9  }
0x27: {  	s1 =	sld [smem:$0x3FB0]  }
0x28: {  	s2 =	sld [smem:$0x3FB1]  }
0x29: {  	s4 =	sld [smem:$0x3FB3]  }
0x2a: {  	p0 =	seq.s32 s5, $0x0;
	s5 =	sld [smem:$0x3FB4]  }
0x2b: {  	s6 =	sld [smem:$0x3FB5]  }
0x2c: {  	s7 =	sld [smem:$0x3FB6]  }
0x2d: {  	s3 =	simm.s32 $0x108;
	s8 =	sld [smem:$0x3FB7]  }
0x2e: {  	s3 =	simm.s32 @!p0 $0x1082;
	s9 =	sld [smem:$0x3FB8]  }
0x2f: {  	lr =	sadd.s32 s0, s3;
	s0 =	sld [smem:$0x3FAF]  }
0x30: {  	s3 =	sld [smem:$0x3FB2]  }
0x31: {  	[smem:$0x3FBB] =	sst s10  }
0x32: {  	s10 =	sld [smem:$0x3FB9];
	_ =	sdelay $0x3  }
0x33: {  	p0 =	seq.s32 s10, $0x1;
	s10 =	sld [smem:$0x3FBB];
	_ =	sdelay $0x3  }
0x34: {  	[smem:$0x3FBB] =	sst s10  }
0x35: {  	s10 =	sld [smem:$0x3FBA];
	_ =	sdelay $0x3  }
0x36: {  	p1 =	seq.s32 s10, $0x1;
	s10 =	sld [smem:$0x3FBB];
	_ =	sdelay $0x3  }
0x37: {  	[smem:$0x3FBB] =	sst s10  }
0x38: {  	s10 =	sld [smem:$0x3FBC]  }
0x39: {  	_ = 	snop;
	(pc) =	sbr.ind lr, $3  }
0x3a: {  	_ = 	snop  }
0x3b: {  	_ = 	snop  }
0x3c: {  	p2 =	seq.s32 s10, $0x1;
	s10 =	sld [smem:$0x3FBB]  }
0x3d: {  	_ =	shalt  }
0x3e: {  	_ =	shalt  }
0x3f: {  	_ =	shalt  }
0x40: {  	_ =	shalt  }
0x41: {  	_ =	shalt  }
0x42: {  	_ =	shalt  }
0x43: {  	_ =	shalt  }
0x44: {  	_ =	shalt  }
0x45: {  	_ =	shalt  }
0x46: {  	_ =	shalt  }
0x47: {  	_ =	shalt  }
0x48: {  	_ =	shalt  }
0x49: {  	_ =	shalt  }
0x4a: {  	_ =	shalt  }
0x4b: {  	_ =	shalt  }
0x4c: {  	_ =	shalt  }
0x4d: {  	_ =	shalt  }
0x4e: {  	_ =	shalt  }
0x4f: {  	_ =	shalt  }
0x50: {  	_ =	shalt  }
0x51: {  	_ =	shalt  }
0x52: {  	_ =	shalt  }
0x53: {  	_ =	shalt  }
0x54: {  	_ =	shalt  }
0x55: {  	_ =	shalt  }
0x56: {  	_ =	shalt  }
0x57: {  	_ =	shalt  }
0x58: {  	_ =	shalt  }
0x59: {  	_ =	shalt  }
0x5a: {  	_ =	shalt  }
0x5b: {  	_ =	shalt  }
0x5c: {  	_ =	shalt  }
0x5d: {  	_ =	shalt  }
0x5e: {  	_ =	shalt  }
0x5f: {  	_ =	shalt  }
0x60: {  	_ =	shalt  }
0x61: {  	_ =	shalt  }
0x62: {  	_ =	shalt  }
0x63: {  	_ =	shalt  }
0x64: {  	_ =	shalt  }
0x65: {  	_ =	shalt  }
0x66: {  	_ =	shalt  }
0x67: {  	_ =	shalt  }
0x68: {  	_ =	shalt  }
0x69: {  	_ =	shalt  }
0x6a: {  	_ =	shalt  }
0x6b: {  	_ =	shalt  }
0x6c: {  	_ =	shalt  }
0x6d: {  	_ =	shalt  }
0x6e: {  	_ =	shalt  }
0x6f: {  	_ =	shalt  }
0x70: {  	_ =	shalt  }
0x71: {  	_ =	shalt  }
0x72: {  	_ =	shalt  }
0x73: {  	_ =	shalt  }
0x74: {  	_ =	shalt  }
0x75: {  	_ =	shalt  }
0x76: {  	_ =	shalt  }
0x77: {  	_ =	shalt  }
0x78: {  	_ =	shalt  }
0x79: {  	_ =	shalt  }
0x7a: {  	_ =	shalt  }
0x7b: {  	_ =	shalt  }
0x7c: {  	_ =	shalt  }
0x7d: {  	_ =	shalt  }
0x7e: {  	_ =	shalt  }
0x7f: {  	_ =	shalt  }
0x80: {  	_ =	shalt  }
0x81: {  	_ =	shalt  }
0x82: {  	_ =	shalt  }
0x83: {  	_ =	shalt  }
0x84: {  	_ =	shalt  }
0x85: {  	_ =	shalt  }
0x86: {  	_ =	shalt  }
0x87: {  	_ =	shalt  }
.Lfunc_end0:
.L_simem_size_0:
called_computation_lowered:
.L_overlay_start_0:
0x88: {  	s2 =	sld [smem:$0x3FD9]  }
0x89: {  	s3 =	sld [smem:$0x3FFE];
	_ =	sdelay $0x1  }
0x8a: {  	s1 =	srdreg.scid  }
0x8b: {  	s0 =	sand.u32 $0x1, s1  }
0x8c: {  	s14 =	sshll.u32 s0, $0xA;
	s2 =	sadd.s32 s3, s2  }
0x8d: {  	s2 =	sadd.s32 s2, s14  }
0x8e: {  	[smem:$0x3FC7] =	sst s2  }
0x8f: {  	_ = 	snop  }
0x90: {  	s2 =	sld [smem:$0x3FD0];
	_ =	sdelay $0x2  }
0x91: {  	s15 =	simm.s32 $0xA;
	s4 =	simm.s32 $0x10  }
0x92: {  	[smem:s4], [sflag:s15] =	dma.local [hbm:s2], $0x1  }
0x93: {  	_ =	swait.eq [sflag:s15], $0x1  }
0x94: {  	[sflag:s15] =	ssyncset.done $0x0  }
0x95: {  	s16 =	sld [smem:$0x10];
	[sflag:s15] =	ssyncadd.s32 $0xFFFFFFFF  }
0x96: {  	s17 =	sld [smem:$0x12];
	(tm) =	ssettm $0x1  }
0x97: {  	s18 =	sld [smem:$0x3FFB];
	_ =	sdelay $0x3  }
0x98: {  	_ =	strace s18  }
0x99: {  	s4 =	sld [smem:$0x3FFC];
	_ =	sdelay $0x3  }
0x9a: {  	_ =	strace s4  }
0x9b: {  	s4 =	sld [smem:$0x3FFD];
	_ =	sdelay $0x3  }
0x9c: {  	_ =	strace s4  }
0x9d: {  	_ =	strace $0x8FFFFFFF  }
0x9e: {  	s19 =	sld [smem:$0x3FDB];
	_ =	sdelay $0x1  }
0x9f: {  	s5 =	simm.s32 $_scs_section_size  }
0xa0: {  	s6 =	simm.s32 $_size__tile_overlayer_lowered;
	s7 =	simm.s32 $_tile_overlayer_lowered  }
0xa1: {  	s22 =	simm.s32 $0x1BFF;
	s21 =	sshll.u32 s7, $0x1;
	s4 =	sadd.s32 s5, s19  }
0xa2: {  	s8 =	simm.s32 $0x0;
	s20 =	sshll.u32 s6, $0x1;
	s6 =	sadd.s32 s21, s4  }
0xa3: {  	[timem:s8], [sflag:s22] =	dma.local [hbm:s6], s20  }
0xa4: {  	_ =	swait.ge [sflag:s22], s20  }
0xa5: {  	s5 =	ssub.s32 $0x0, s20;
	[sflag:s22] =	ssyncset.done $0x0  }
0xa6: {  	[sflag:s22] =	ssyncadd.s32 s5;
	_ =	sdelay $0x1  }
0xa7: {  	s23 =	simm.s32 $0x1B8B  }
0xa8: {  	_ =	swait.ge [sflag:s23], $0x1  }
0xa9: {  	[sflag:s23] =	ssyncset.done $0x0  }
0xaa: {  	s25 =	simm.s32 $0x1B8E;
	s24 =	sld [smem:$0x3FFE];
	[sflag:s23] =	ssyncadd.s32 $0xFFFFFFFF  }
0xab: {  	s26 =	simm.s32 $execute0_lowered;
	[smem:$0x3FD2] =	sst s25  }
0xac: {  	s6 =	sshll.u32 s26, $0x1;
	_ =	strace $0x80000046;
	[dreg:$0x1] =	wrdreg $0xFFFFFFFF  }
0xad: {  	s28 =	simm.s32 $_size_execute0_lowered;
	s4 =	sadd.s32 s4, s6;
	[dreg:$0x0] =	wrdreg $0x0  }
0xae: {  	s6 =	sshll.u32 s28, $0x1;
	[dreg:$0x2] =	wrdreg s4  }
0xaf: {  	[dreg:$0x3] =	wrdreg s6  }
0xb0: {  	[dreg:$0x4] =	wrdreg $0xC0  }
0xb1: {  	_ =	task [dreg:s8], $0x5FFFF  }
0xb2: {  	[dreg:$0x1] =	wrdreg $0xFFFFFFFF  }
0xb3: {  	[dreg:$0x0] =	wrdreg $0x60  }
0xb4: {  	[dreg:$0x2] =	wrdreg s16  }
0xb5: {  	[dreg:$0x3] =	wrdreg s24  }
0xb6: {  	[dreg:$0x4] =	wrdreg s17  }
0xb7: {  	[dreg:$0x5] =	wrdreg $0x9  }
0xb8: {  	_ =	task.clear_ibuf [dreg:s8], $0x6FFFF;
	_ =	strace $0x90000046  }
0xb9: {  	s29 =	simm.s32 $0x9;
	_ =	strace $0x80000048  }
0xba: {  	_ =	swait.ge [sflag:s29], $0x1  }
0xbb: {  	[sflag:s29] =	ssyncadd.s32 $0xFFFFFFFF  }
0xbc: {  	_ =	strace $0x90000048  }
0xbd: {  	_ =	sfence  }
0xbe: {  	s30 =	sld [smem:$0x0];
	_ =	sdelay $0x2  }
0xbf: {  	s31 =	sshll.u32 s1, $0xD;
	s1 =	sshrl.u32 s1, $0x2  }
0xc0: {  	s3 =	sand.u32 $0x4000, s31;
	s1 =	sadd.s32 s1, s30  }
0xc1: {  	s0 =	sor.u32 s3, s0;
	s1 =	sshll.u32 s1, $0x11  }
0xc2: {  	s0 =	sor.u32 s1, s0  }
0xc3: {  	s0 =	sadd.s32 $0x8F2B, s0  }
0xc4: {  	[sflag:s0] =	ssyncadd.remote.s32 $0x1  }
0xc5: {  	_ =	sfence.sel $0xFFFF  }
0xc6: {  	[dreg:$0x0] =	wrdreg $0xFFFFFFFF;
	(pc) =	sbr.abs _section_cstart, $3  }
0xc7: {  	[dreg:$0x1] =	wrdreg $0xFFFFFFFF  }
0xc8: {  	_ =	task.clear_ibuf [dreg:s8], $0x2FFFF;
	_ =	strace $0x9FFFFFFF  }
0xc9: {  	(tm) =	ssettm $0x7FFFFFFF  }
tec
execute0_lowered:
.L_overlay_start_1:
0x0: {  	(tag) =	ssettag $0x1  }
0x1: {  	s3 =	rddreg [dreg:$0x0]  }
0x2: {  	s9 =	rddreg [dreg:$0x1]  }
0x3: {  	s1 =	srdreg.scid;
	s0 =	stileid.u32  }
0x4: {  	s7 =	rddreg [dreg:$0x2];
	s8 =	sand.u32 $0x1, s1;
	s4 =	sshll.u32 s0, $0x1  }
0x5: {  	s2 =	simm.s32 $0x0;
	s1 =	rddreg [dreg:$0x3];
	s10 =	sor.u32 s8, s4  }
0x6: {  	[smem:$0x7FF] =	sst s2;
	s5 =	sshll.u32 s10, $0xA  }
0x7: {  	_ =	strace $0x80000047;
	s4 =	sadd.s32 s3, s5;
	s3 =	simm.s32 $0x1  }
0x8: {  	[tilespmem:s2], [sflag:$0x1] =	stream.linear.gather [hbm4b:s4+s2], $0x2000, $0x38;
	[tilespmem:$0x5000] =	vst v63  }
0x9: {  	s6 =	simm.s32 $0x2000;
	_ =	swait.ge [sflag:s3], $0x2000  }
0xa: {  	s11 =	ssub.s32 $0x2, s8;
	s5 =	sadd.s32 s5, s9;
	[sflag:s3] =	ssyncset.done $0x0  }
0xb: {  	s10 =	sshll.u32 s10, $0x8;
	s5 =	sadd.s32 $0x800, s5;
	[sflag:s3] =	ssyncadd.s32 $0xFFFFE000  }
0xc: {  	[hbm4b:s5+s2] =	stream.linear.scatter [tilespmem:s6], [sflag:$0x1], $0x2000, $0x38;
	[tilespmem:$0x5000] =	vst v63  }
0xd: {  	s31 =	sshrl.u32 s11, $0x1;
	s7 =	sadd.s32 s7, s10;
	_ =	swait.ge [sflag:s3], $0x2000  }
0xe: {  	s9 =	sadd.s32 s10, s9;
	s10 =	ssub.s32 s11, s31;
	[sflag:s3] =	ssyncset.done $0x0  }
0xf: {  	s8 =	simm.s32 $0x4000;
	s11 =	smax.u32 s10, $0x1;
	[sflag:s3] =	ssyncadd.s32 $0xFFFFE000  }
0x10: {  	[hbm4b:s7+s2] =	stream.linear.scatter [tilespmem:s8], [sflag:$0x1], $0x800, $0x38;
	[tilespmem:$0x5000] =	vst v63  }
0x11: {  	p0 =	sne.s32 s11, $0x1;
	_ =	swait.ge [sflag:s3], $0x800  }
.Ltmp0:
0x12: {  	[sflag:s3] =	ssyncset.done $0x0;
	(pc) =	sbr.rel @!p0 .LBB2_2-.Ltmp0, $4  }
0x13: {  	s9 =	sadd.s32 $0x8800, s9;
	s10 =	simm.s32 $0x4800;
	[sflag:s3] =	ssyncadd.s32 $0xFFFFF800  }
0x14: {  	[hbm4b:s9+s2] =	stream.linear.scatter [tilespmem:s10], [sflag:$0x1], $0x800, $0x38;
	[tilespmem:$0x5000] =	vst v63  }
0x15: {  	_ =	swait.ge [sflag:s3], $0x800  }
0x16: {  	s11 =	sadd.s32 $0xFFFFFFFF, s11;
	[sflag:s3] =	ssyncset.done $0x0  }
.LBB2_1:
0x17: {  	p0 =	sne.s32 s11, $0x1;
	s11 =	sadd.s32 $0xFFFFFFFF, s11;
	[sflag:s3] =	ssyncadd.s32 $0xFFFFF800  }
0x18: {  	[tilespmem:s2], [sflag:$0x1] =	stream.linear.gather [hbm4b:s4+s2], $0x2000, $0x38;
	[tilespmem:$0x5000] =	vst v63  }
0x19: {  	_ =	swait.ge [sflag:s3], $0x2000  }
0x1a: {  	[sflag:s3] =	ssyncset.done $0x0  }
0x1b: {  	[sflag:s3] =	ssyncadd.s32 $0xFFFFE000  }
0x1c: {  	[hbm4b:s5+s2] =	stream.linear.scatter [tilespmem:s6], [sflag:$0x1], $0x2000, $0x38;
	[tilespmem:$0x5000] =	vst v63  }
0x1d: {  	_ =	swait.ge [sflag:s3], $0x2000  }
0x1e: {  	[sflag:s3] =	ssyncset.done $0x0  }
0x1f: {  	[sflag:s3] =	ssyncadd.s32 $0xFFFFE000  }
0x20: {  	[hbm4b:s7+s2] =	stream.linear.scatter [tilespmem:s8], [sflag:$0x1], $0x800, $0x38;
	[tilespmem:$0x5000] =	vst v63  }
0x21: {  	_ =	swait.ge [sflag:s3], $0x800  }
.Ltmp1:
0x22: {  	[sflag:s3] =	ssyncset.done $0x0;
	(pc) =	sbr.rel @p0 .LBB2_1-.Ltmp1, $4  }
0x23: {  	[sflag:s3] =	ssyncadd.s32 $0xFFFFF800  }
0x24: {  	[hbm4b:s9+s2] =	stream.linear.scatter [tilespmem:s10], [sflag:$0x1], $0x800, $0x38;
	[tilespmem:$0x5000] =	vst v63  }
0x25: {  	_ =	swait.ge [sflag:s3], $0x800  }
0x26: {  	[sflag:s3] =	ssyncset.done $0x0  }
.LBB2_2:
0x27: {  	[sflag:s3] =	ssyncadd.s32 $0xFFFFF800  }
0x28: {  	_ =	sfence.sel $0x180000  }
0x29: {  	[bflag:$0x0] =	sbarrier.arrive $0xFFFF  }
0x2a: {  	p0 =	sne.s32 s0, $0x0;
	_ =	strace $0x90000047  }
0x2b: {  	s0 =	sadd.s32 @!p0 $0x100000, s1;
	[bflag:$0x2] =	sbarrier.arrive $0xFFFF  }
0x2c: {  	[sflag:s0] =	ssyncadd.tile.s32 @!p0 $0x1;
	_ =	shalt  }
.Lfunc_end2:
_tile_overlayer_lowered:
.L_overlay_start_2:
0x2d: {  	(tag) =	ssettag $0x2  }
0x2e: {  	s0 =	rddreg [dreg:$0x0];
	s2 =	stileid.u32  }
0x2f: {  	s1 =	rddreg [dreg:$0x1];
	p0 =	sne.s32 s2, $0x0  }
0x30: {  	s3 =	rddreg [dreg:$0x2];
	[bflag:$0x3] =	sbarrier.arrive $0xFFFF;
	s2 =	simm.s32 @!p0 $0x1C01  }
0x31: {  	[timem:s3], [sflag:s2] =	dma.local @!p0 [hbm:s0], s1  }
0x32: {  	s0 =	simm.s32 @!p0 $0x1  }
0x33: {  	_ =	swait.ge @!p0 [sflag:s0], s1  }
0x34: {  	s1 =	ssub.s32 @!p0 $0x0, s1;
	[sflag:s0] =	ssyncset.done @!p0 $0x0  }
0x35: {  	[sflag:s0] =	ssyncadd.s32 @!p0 s1  }
0x36: {  	[bflag:$0x3] =	sbarrier.arrive $0xFFFF  }
0x37: {  	_ =	shalt  }

</sc_bundles>
